<compile_context>
chip_gen: v7x
topology: tpu7x:2x2x1
jax: 0.10.2.dev20260603
libtpu: 0.0.44.dev20260713+nightly
codegen_flags: <defaults>
</compile_context>

<pallas_src>
import functools

import jax
import jax.numpy as jnp
from jax import lax
from jax.experimental import pallas as pl
from jax.experimental.pallas import tpu as pltpu
from jax.experimental.pallas import tpu_sc as plsc

_L = 16


def kernel(input, input_position, input_table, pos_table):
    B = input.shape[0]
    D = input_table.shape[1]
    info = plsc.get_sparse_core_info()
    NW = info.num_cores * info.num_subcores
    bpw = B // NW
    mesh = plsc.VectorSubcoreMesh(core_axis_name="c", subcore_axis_name="s")

    table128 = jnp.pad(input_table, ((0, 0), (0, D)))
    pos_idx16 = jnp.full((_L,), input_position, dtype=jnp.int32)

    @functools.partial(
        pl.kernel,
        mesh=mesh,
        compiler_params=pltpu.CompilerParams(use_tc_tiling_on_sc=False),
        out_type=jax.ShapeDtypeStruct((B, 2 * D), jnp.float32),
        scratch_types=[
            pltpu.VMEM((bpw,), jnp.int32),
            pltpu.VMEM((bpw, 2 * D), jnp.float32),
            pltpu.VMEM((_L,), jnp.int32),
            pltpu.VMEM((_L, D), jnp.float32),
            pltpu.SemaphoreType.DMA,
            pltpu.SemaphoreType.DMA,
        ],
    )
    def sc_kernel(inp_hbm, pidx_hbm, table_hbm, ptable_hbm, out_hbm,
                  idx_v, stripe, pidx_v, pos16_v, sem_e, sem_p):
        wid = lax.axis_index("s") * info.num_cores + lax.axis_index("c")
        base = wid * bpw
        pltpu.sync_copy(inp_hbm.at[pl.ds(base, bpw)], idx_v)
        emb_dma = pltpu.async_copy(table_hbm.at[idx_v], stripe, sem_e)

        pltpu.sync_copy(pidx_hbm, pidx_v)
        pltpu.async_copy(ptable_hbm.at[pidx_v], pos16_v, sem_p).wait()
        pvecs = [pos16_v[0, pl.ds(k * _L, _L)] for k in range(D // _L)]

        emb_dma.wait()

        def fill_pos(r, carry):
            for k in range(D // _L):
                stripe[r, pl.ds(D + k * _L, _L)] = pvecs[k]
            return carry

        lax.fori_loop(0, bpw, fill_pos, 0)

        pltpu.sync_copy(stripe, out_hbm.at[pl.ds(base, bpw)])

    return sc_kernel(input, pos_idx16, table128, pos_table)

# --- scband reference (transcript-rebuilt; emitter-appended) ---
"""Pipeline reference for scband-positional-encoder-20040317403472 (READ-ONLY COPY).

The authoritative reference and input builder live on the scoring server;
editing this copy changes nothing except your own understanding.
"""

import jax, jax.numpy as jnp
import numpy as np

VOCAB = 1000000
EMBED_DIM = 64
MAX_POSITIONS = 100
BATCH = 16384

def setup_inputs(seed: int = 0) -> dict:
    key = jax.random.key(seed)
    k1, k2, k3 = jax.random.split(key, 3)
    inp = jax.random.randint(k1, (BATCH,), 0, VOCAB, dtype=jnp.int64 if jax.config.jax_enable_x64 else jnp.int32).astype(jnp.int32)
    input_position = 42
    input_table = jax.random.normal(k2, (VOCAB, EMBED_DIM), dtype=jnp.float32)
    pos_table = jax.random.normal(k3, (MAX_POSITIONS, EMBED_DIM), dtype=jnp.float32)
    return {"input": inp, "input_position": input_position, "input_table": input_table, "pos_table": pos_table}

def reference(input, input_position, input_table, pos_table):
    batch_size = input.shape[0]
    # embedding lookup: [batch, embed_dim]
    embedding = jnp.take(input_table, input, axis=0)
    # positions: scalar position repeated for every batch element -> [batch, 1]
    positions = jnp.full((batch_size, 1), input_position, dtype=jnp.int32)
    positional_encoding = jnp.take(pos_table, positions, axis=0)  # [batch, 1, embed_dim]
    positional_encoding = jnp.squeeze(positional_encoding, axis=1)  # [batch, embed_dim]
    positional_embedding = jnp.concatenate((embedding, positional_encoding), axis=1)  # [batch, 2*embed_dim]
    return positional_embedding

if __name__ == "__main__":
    import jax
    _d = setup_inputs()
    print(jax.jit(kernel)(*tuple(_d.values())))

</pallas_src>

<mosaic_0001>
#map = affine_map<(d0, d1) -> (0)>
#map1 = affine_map<(d0, d1) -> (0, 0)>
module attributes {stable_mosaic.version = 14 : i64} {
  func.func @sc_kernel(%arg0: i32, %arg1: i32, %arg2: memref<16384xi32, #tpu.memory_space<hbm>>, %arg3: memref<16xi32, #tpu.memory_space<hbm>>, %arg4: memref<1000000x128xf32, #tpu.memory_space<hbm>>, %arg5: memref<100x64xf32, #tpu.memory_space<hbm>>, %arg6: memref<16384x128xf32, #tpu.memory_space<hbm>>, %arg7: memref<512xi32, #tpu.memory_space<vmem>>, %arg8: memref<512x128xf32, #tpu.memory_space<vmem>>, %arg9: memref<16xi32, #tpu.memory_space<vmem>>, %arg10: memref<16x64xf32, #tpu.memory_space<vmem>>, %arg11: memref<!tpu.dma_semaphore, #tpu.memory_space<semaphore_mem>>, %arg12: memref<!tpu.dma_semaphore, #tpu.memory_space<semaphore_mem>>) attributes {dimension_semantics = [#tpu.dimension_semantics<core_parallel>, #tpu.dimension_semantics<subcore_parallel>], iteration_bounds = array<i64: 2, 16>, scalar_prefetch = 0 : i64, scratch_operands = 6 : i64, tpu.core_type = #tpu.core_type<sc_vector_subcore>, window_params = [{transform_indices = #map}, {transform_indices = #map}, {transform_indices = #map1}, {transform_indices = #map1}, {transform_indices = #map1}]} {
    %mul3A = arith.constant 2 : i32
    %mul3A_0 = arith.muli %arg1, %mul3A : i32
    %add3A = arith.addi %mul3A_0, %arg0 : i32
    %mul3A_1 = arith.constant 512 : i32
    %mul3A_2 = arith.muli %add3A, %mul3A_1 : i32
    "tpu.region"() ({
      %run_scoped3A = tpu.sem_alloc : memref<!tpu.dma_semaphore, #tpu.memory_space<semaphore_mem>>
      %dma_start3A_37 = tpu.memref_slice %arg2[%mul3A_2] : memref<16384xi32, #tpu.memory_space<hbm>> -> memref<512xi32, #tpu.memory_space<hbm>>
      %dma_start3A_38 = tpu.memref_slice %arg2[%mul3A_2] : memref<16384xi32, #tpu.memory_space<hbm>> -> memref<512xi32, #tpu.memory_space<hbm>>
      tpu.enqueue_dma source(%dma_start3A_38 : memref<512xi32, #tpu.memory_space<hbm>>) target(%arg7 : memref<512xi32, #tpu.memory_space<vmem>>) target_semaphore(%run_scoped3A : memref<!tpu.dma_semaphore, #tpu.memory_space<semaphore_mem>>)
      %dma_wait3A_39 = tpu.memref_slice %arg2[%mul3A_2] : memref<16384xi32, #tpu.memory_space<hbm>> -> memref<512xi32, #tpu.memory_space<hbm>>
      %dma_wait3A_40 = tpu.memref_slice %arg2[%mul3A_2] : memref<16384xi32, #tpu.memory_space<hbm>> -> memref<512xi32, #tpu.memory_space<hbm>>
      tpu.wait_dma2 semaphore(%run_scoped3A : memref<!tpu.dma_semaphore, #tpu.memory_space<semaphore_mem>>) src(%dma_wait3A_40 : memref<512xi32, #tpu.memory_space<hbm>>) dst(%arg7 : memref<512xi32, #tpu.memory_space<vmem>>)
      tpu.yield
    }) : () -> ()
    %dma_start3A = arith.constant 0 : i32
    %dma_start3A_3 = arith.constant 0 : i32
    %dma_start3A_4 = tpu.memref_slice %arg4[%dma_start3A, %dma_start3A_3] : memref<1000000x128xf32, #tpu.memory_space<hbm>> -> memref<1000000x128xf32, #tpu.memory_space<hbm>>
    tpu.enqueue_indirect_dma source(%dma_start3A_4 : memref<1000000x128xf32, #tpu.memory_space<hbm>>) target(%arg8 : memref<512x128xf32, #tpu.memory_space<vmem>>) offsets(%arg7 : memref<512xi32, #tpu.memory_space<vmem>>) semaphore(%arg11 : memref<!tpu.dma_semaphore, #tpu.memory_space<semaphore_mem>>)
    "tpu.region"() ({
      %run_scoped3A = tpu.sem_alloc : memref<!tpu.dma_semaphore, #tpu.memory_space<semaphore_mem>>
      tpu.enqueue_dma source(%arg3 : memref<16xi32, #tpu.memory_space<hbm>>) target(%arg9 : memref<16xi32, #tpu.memory_space<vmem>>) target_semaphore(%run_scoped3A : memref<!tpu.dma_semaphore, #tpu.memory_space<semaphore_mem>>)
      tpu.wait_dma2 semaphore(%run_scoped3A : memref<!tpu.dma_semaphore, #tpu.memory_space<semaphore_mem>>) src(%arg3 : memref<16xi32, #tpu.memory_space<hbm>>) dst(%arg9 : memref<16xi32, #tpu.memory_space<vmem>>)
      tpu.yield
    }) : () -> ()
    %dma_start3A_5 = arith.constant 0 : i32
    %dma_start3A_6 = arith.constant 0 : i32
    %dma_start3A_7 = tpu.memref_slice %arg5[%dma_start3A_5, %dma_start3A_6] : memref<100x64xf32, #tpu.memory_space<hbm>> -> memref<100x64xf32, #tpu.memory_space<hbm>>
    tpu.enqueue_indirect_dma source(%dma_start3A_7 : memref<100x64xf32, #tpu.memory_space<hbm>>) target(%arg10 : memref<16x64xf32, #tpu.memory_space<vmem>>) offsets(%arg9 : memref<16xi32, #tpu.memory_space<vmem>>) semaphore(%arg12 : memref<!tpu.dma_semaphore, #tpu.memory_space<semaphore_mem>>)
    %dma_wait3A = arith.constant 0 : i32
    %dma_wait3A_8 = arith.constant 0 : i32
    %dma_wait3A_9 = tpu.memref_slice %arg5[%dma_wait3A, %dma_wait3A_8] : memref<100x64xf32, #tpu.memory_space<hbm>> -> memref<100x64xf32, #tpu.memory_space<hbm>>
    tpu.wait_indirect_dma semaphore(%arg12 : memref<!tpu.dma_semaphore, #tpu.memory_space<semaphore_mem>>) src(%dma_wait3A_9 : memref<100x64xf32, #tpu.memory_space<hbm>>) dst(%arg10 : memref<16x64xf32, #tpu.memory_space<vmem>>)
    %get3A = arith.constant 0 : i32
    %get3A_10 = arith.index_cast %get3A : i32 to index
    %get3A_11 = arith.constant 0 : index
    %get3A_12 = tpu.vector_load %arg10[%get3A_10, %get3A_11] {strides = array<i32>} : memref<16x64xf32, #tpu.memory_space<vmem>>, vector<1x16xf32>,
    %get3A_13 = vector.shape_cast %get3A_12 : vector<1x16xf32> to vector<16xf32>
    %get3A_14 = arith.constant 0 : i32
    %get3A_15 = arith.index_cast %get3A_14 : i32 to index
    %get3A_16 = arith.constant 16 : index
    %get3A_17 = tpu.vector_load %arg10[%get3A_15, %get3A_16] {strides = array<i32>} : memref<16x64xf32, #tpu.memory_space<vmem>>, vector<1x16xf32>,
    %get3A_18 = vector.shape_cast %get3A_17 : vector<1x16xf32> to vector<16xf32>
    %get3A_19 = arith.constant 0 : i32
    %get3A_20 = arith.index_cast %get3A_19 : i32 to index
    %get3A_21 = arith.constant 32 : index
    %get3A_22 = tpu.vector_load %arg10[%get3A_20, %get3A_21] {strides = array<i32>} : memref<16x64xf32, #tpu.memory_space<vmem>>, vector<1x16xf32>,
    %get3A_23 = vector.shape_cast %get3A_22 : vector<1x16xf32> to vector<16xf32>
    %get3A_24 = arith.constant 0 : i32
    %get3A_25 = arith.index_cast %get3A_24 : i32 to index
    %get3A_26 = arith.constant 48 : index
    %get3A_27 = tpu.vector_load %arg10[%get3A_25, %get3A_26] {strides = array<i32>} : memref<16x64xf32, #tpu.memory_space<vmem>>, vector<1x16xf32>,
    %get3A_28 = vector.shape_cast %get3A_27 : vector<1x16xf32> to vector<16xf32>
    %dma_wait3A_29 = arith.constant 0 : i32
    %dma_wait3A_30 = arith.constant 0 : i32
    %dma_wait3A_31 = tpu.memref_slice %arg4[%dma_wait3A_29, %dma_wait3A_30] : memref<1000000x128xf32, #tpu.memory_space<hbm>> -> memref<1000000x128xf32, #tpu.memory_space<hbm>>
    tpu.wait_indirect_dma semaphore(%arg11 : memref<!tpu.dma_semaphore, #tpu.memory_space<semaphore_mem>>) src(%dma_wait3A_31 : memref<1000000x128xf32, #tpu.memory_space<hbm>>) dst(%arg8 : memref<512x128xf32, #tpu.memory_space<vmem>>)
    %scan3A = arith.constant 0 : i32
    %scan3A_32 = arith.constant 0 : i32
    %scan3A_33 = arith.constant 512 : i32
    %scan3A_34 = arith.addi %scan3A_32, %scan3A_33 : i32
    %scan3A_35 = arith.constant 1 : i32
    scf.for %scan3A_37 = %scan3A_32 to %scan3A_34 step %scan3A_35  : i32 {
      %swap3A = arith.index_cast %scan3A_37 : i32 to index
      %swap3A_38 = arith.constant 64 : index
      %swap3A_39 = tpu.vector_load %arg8[%swap3A, %swap3A_38] {strides = array<i32>} : memref<512x128xf32, #tpu.memory_space<vmem>>, vector<1x16xf32>,
      %swap3A_40 = vector.shape_cast %swap3A_39 : vector<1x16xf32> to vector<16xf32>
      %swap3A_41 = vector.shape_cast %get3A_13 : vector<16xf32> to vector<1x16xf32>
      tpu.vector_store %arg8[%swap3A, %swap3A_38], %swap3A_41 {strides = array<i32>} : memref<512x128xf32, #tpu.memory_space<vmem>>, vector<1x16xf32>,
      %swap3A_42 = arith.index_cast %scan3A_37 : i32 to index
      %swap3A_43 = arith.constant 80 : index
      %swap3A_44 = tpu.vector_load %arg8[%swap3A_42, %swap3A_43] {strides = array<i32>} : memref<512x128xf32, #tpu.memory_space<vmem>>, vector<1x16xf32>,
      %swap3A_45 = vector.shape_cast %swap3A_44 : vector<1x16xf32> to vector<16xf32>
      %swap3A_46 = vector.shape_cast %get3A_18 : vector<16xf32> to vector<1x16xf32>
      tpu.vector_store %arg8[%swap3A_42, %swap3A_43], %swap3A_46 {strides = array<i32>} : memref<512x128xf32, #tpu.memory_space<vmem>>, vector<1x16xf32>,
      %swap3A_47 = arith.index_cast %scan3A_37 : i32 to index
      %swap3A_48 = arith.constant 96 : index
      %swap3A_49 = tpu.vector_load %arg8[%swap3A_47, %swap3A_48] {strides = array<i32>} : memref<512x128xf32, #tpu.memory_space<vmem>>, vector<1x16xf32>,
      %swap3A_50 = vector.shape_cast %swap3A_49 : vector<1x16xf32> to vector<16xf32>
      %swap3A_51 = vector.shape_cast %get3A_23 : vector<16xf32> to vector<1x16xf32>
      tpu.vector_store %arg8[%swap3A_47, %swap3A_48], %swap3A_51 {strides = array<i32>} : memref<512x128xf32, #tpu.memory_space<vmem>>, vector<1x16xf32>,
      %swap3A_52 = arith.index_cast %scan3A_37 : i32 to index
      %swap3A_53 = arith.constant 112 : index
      %swap3A_54 = tpu.vector_load %arg8[%swap3A_52, %swap3A_53] {strides = array<i32>} : memref<512x128xf32, #tpu.memory_space<vmem>>, vector<1x16xf32>,
      %swap3A_55 = vector.shape_cast %swap3A_54 : vector<1x16xf32> to vector<16xf32>
      %swap3A_56 = vector.shape_cast %get3A_28 : vector<16xf32> to vector<1x16xf32>
      tpu.vector_store %arg8[%swap3A_52, %swap3A_53], %swap3A_56 {strides = array<i32>} : memref<512x128xf32, #tpu.memory_space<vmem>>, vector<1x16xf32>,
    }
    %scan3A_36 = arith.constant 512 : i32
    "tpu.region"() ({
      %run_scoped3A = tpu.sem_alloc : memref<!tpu.dma_semaphore, #tpu.memory_space<semaphore_mem>>
      %dma_start3A_37 = arith.constant 0 : i32
      %dma_start3A_38 = tpu.memref_slice %arg6[%mul3A_2, %dma_start3A_37] : memref<16384x128xf32, #tpu.memory_space<hbm>> -> memref<512x128xf32, #tpu.memory_space<hbm>>
      %dma_start3A_39 = arith.constant 0 : i32
      %dma_start3A_40 = tpu.memref_slice %arg6[%mul3A_2, %dma_start3A_39] : memref<16384x128xf32, #tpu.memory_space<hbm>> -> memref<512x128xf32, #tpu.memory_space<hbm>>
      tpu.enqueue_dma source(%arg8 : memref<512x128xf32, #tpu.memory_space<vmem>>) target(%dma_start3A_40 : memref<512x128xf32, #tpu.memory_space<hbm>>) target_semaphore(%run_scoped3A : memref<!tpu.dma_semaphore, #tpu.memory_space<semaphore_mem>>)
      %dma_wait3A_41 = arith.constant 0 : i32
      %dma_wait3A_42 = tpu.memref_slice %arg6[%mul3A_2, %dma_wait3A_41] : memref<16384x128xf32, #tpu.memory_space<hbm>> -> memref<512x128xf32, #tpu.memory_space<hbm>>
      %dma_wait3A_43 = arith.constant 0 : i32
      %dma_wait3A_44 = tpu.memref_slice %arg6[%mul3A_2, %dma_wait3A_43] : memref<16384x128xf32, #tpu.memory_space<hbm>> -> memref<512x128xf32, #tpu.memory_space<hbm>>
      tpu.wait_dma2 semaphore(%run_scoped3A : memref<!tpu.dma_semaphore, #tpu.memory_space<semaphore_mem>>) src(%arg8 : memref<512x128xf32, #tpu.memory_space<vmem>>) dst(%dma_wait3A_44 : memref<512x128xf32, #tpu.memory_space<hbm>>)
      tpu.yield
    }) : () -> ()
    return
  }
}

</mosaic_0001>

<sc_bundles>
// kernel: kernel.3.cloned.1.call-start
scs
__scs_entry_jumppad:
0x0: {  	(pc) =	sbr.rel $0x88, $3  }
0x1: {  	(tag) =	ssettag $0x0;
	lr =	simm.s32 $0x1  }
0x2: {  	[smem:$0x3F9D] =	sst lr;
	_ =	strace $0xD0000000  }
0x3: {  	_ = 	snop  }
0x4: {  	_ = 	snop  }
0x5: {  	_ = 	snop  }
0x6: {  	_ = 	snop  }
0x7: {  	_ = 	snop  }
__scs_overlays_trampoline_lowered:
0x8: {  	[smem:$0x3FAC] =	sst s0  }
0x9: {  	[smem:$0x3FAD] =	sst s1  }
0xa: {  	[smem:$0x3FAE] =	sst s2  }
0xb: {  	[smem:$0x3FAF] =	sst s3  }
0xc: {  	[smem:$0x3FB0] =	sst s4  }
0xd: {  	[smem:$0x3FB1] =	sst s5  }
0xe: {  	[smem:$0x3FB2] =	sst s6  }
0xf: {  	[smem:$0x3FB3] =	sst s7  }
0x10: {  	[smem:$0x3FB4] =	sst s8  }
0x11: {  	[smem:$0x3FB5] =	sst s9;
	s0 =	simm.s32 @!p0 $0x0  }
0x12: {  	s1 =	sld [smem:$0x3F9B];
	s0 =	simm.s32 @p0 $0x1  }
0x13: {  	[smem:$0x3FB6] =	sst s0;
	s0 =	simm.s32 @!p1 $0x0  }
0x14: {  	s2 =	sld [smem:$0x3F9A];
	s0 =	simm.s32 @p1 $0x1  }
0x15: {  	[smem:$0x3FB7] =	sst s0;
	s0 =	simm.s32 @!p2 $0x0  }
0x16: {  	s3 =	sld [smem:$0x3FDB];
	s0 =	simm.s32 @p2 $0x1  }
0x17: {  	s4 =	simm.s32 $0x1BF5;
	[smem:$0x3FB9] =	sst s0  }
0x18: {  	s0 =	sld [smem:$0x3F9C];
	_ =	swait.ge [sflag:s4], $0x0  }
0x19: {  	s7 =	sld [smem:$0x3F9D]  }
0x1a: {  	s8 =	sadd.s32 $0xFFFFE003, lr  }
0x1b: {  	s9 =	sadd.s32 $0xFFFFFEF7, lr;
	s5 =	simm.s32 $0xFFFFFFFF;
	p2 =	slt.u32 s8, $0xFFFFF086  }
0x1c: {  	p1 =	slt.u32 s9, $0xF7A;
	s5 =	simm.s32 @!p2 $0x0  }
0x1d: {  	s5 =	simm.s32 @p1 $0x1;
	p0 =	seq.s32 s7, s2  }
0x1e: {  	s7 =	smul.u32 @!p0 $0xF7A, s2;
	p2 =	seq.s32 @!p0 s5, $0x0  }
0x1f: {  	s9 =	smul.u32 $0xF7A, s1;
	s8 =	simm.s32 @!p0 $0x1BF5;
	p2 =	por !p2, p0  }
0x20: {  	[sflag:s8] =	ssyncset.s32 @!p0 $0xFFFFF086;
	s6 =	sadd.s32 @!p0 s3, s7;
	s7 =	simm.s32 @!p0 $0x108  }
0x21: {  	s3 =	sadd.s32 s3, s9;
	s6 =	sadd.s32 @!p0 $0x88, s6;
	s7 =	simm.s32 @p2 $0x1082  }
0x22: {  	[simem:s7], [sflag:s8] =	dma.local @!p0 [hbm:s6], $0xF7A  }
0x23: {  	s9 =	sor.u32 $0xD0000000, s2;
	s6 =	simm.s32 $0x108;
	_ =	swait.ge @!p0 [sflag:s8], $0x0  }
0x24: {  	s3 =	sadd.s32 $0x88, s3;
	s6 =	simm.s32 @!p1 $0x1082;
	[sflag:s4] =	ssyncset.s32 $0xFFFFF086  }
0x25: {  	[simem:s6], [sflag:s4] =	dma.local [hbm:s3], $0xF7A  }
0x26: {  	[smem:$0x3F9D] =	sst s1;
	(tag) =	ssettag s2;
	_ =	strace s9  }
0x27: {  	s1 =	sld [smem:$0x3FAD]  }
0x28: {  	s2 =	sld [smem:$0x3FAE]  }
0x29: {  	s4 =	sld [smem:$0x3FB0]  }
0x2a: {  	p0 =	seq.s32 s5, $0x0;
	s5 =	sld [smem:$0x3FB1]  }
0x2b: {  	s6 =	sld [smem:$0x3FB2]  }
0x2c: {  	s7 =	sld [smem:$0x3FB3]  }
0x2d: {  	s3 =	simm.s32 $0x108;
	s8 =	sld [smem:$0x3FB4]  }
0x2e: {  	s3 =	simm.s32 @!p0 $0x1082;
	s9 =	sld [smem:$0x3FB5]  }
0x2f: {  	lr =	sadd.s32 s0, s3;
	s0 =	sld [smem:$0x3FAC]  }
0x30: {  	s3 =	sld [smem:$0x3FAF]  }
0x31: {  	[smem:$0x3FB8] =	sst s10  }
0x32: {  	s10 =	sld [smem:$0x3FB6];
	_ =	sdelay $0x3  }
0x33: {  	p0 =	seq.s32 s10, $0x1;
	s10 =	sld [smem:$0x3FB8];
	_ =	sdelay $0x3  }
0x34: {  	[smem:$0x3FB8] =	sst s10  }
0x35: {  	s10 =	sld [smem:$0x3FB7];
	_ =	sdelay $0x3  }
0x36: {  	p1 =	seq.s32 s10, $0x1;
	s10 =	sld [smem:$0x3FB8];
	_ =	sdelay $0x3  }
0x37: {  	[smem:$0x3FB8] =	sst s10  }
0x38: {  	s10 =	sld [smem:$0x3FB9]  }
0x39: {  	_ = 	snop;
	(pc) =	sbr.ind lr, $3  }
0x3a: {  	_ = 	snop  }
0x3b: {  	_ = 	snop  }
0x3c: {  	p2 =	seq.s32 s10, $0x1;
	s10 =	sld [smem:$0x3FB8]  }
0x3d: {  	_ =	shalt  }
0x3e: {  	_ =	shalt  }
0x3f: {  	_ =	shalt  }
0x40: {  	_ =	shalt  }
0x41: {  	_ =	shalt  }
0x42: {  	_ =	shalt  }
0x43: {  	_ =	shalt  }
0x44: {  	_ =	shalt  }
0x45: {  	_ =	shalt  }
0x46: {  	_ =	shalt  }
0x47: {  	_ =	shalt  }
0x48: {  	_ =	shalt  }
0x49: {  	_ =	shalt  }
0x4a: {  	_ =	shalt  }
0x4b: {  	_ =	shalt  }
0x4c: {  	_ =	shalt  }
0x4d: {  	_ =	shalt  }
0x4e: {  	_ =	shalt  }
0x4f: {  	_ =	shalt  }
0x50: {  	_ =	shalt  }
0x51: {  	_ =	shalt  }
0x52: {  	_ =	shalt  }
0x53: {  	_ =	shalt  }
0x54: {  	_ =	shalt  }
0x55: {  	_ =	shalt  }
0x56: {  	_ =	shalt  }
0x57: {  	_ =	shalt  }
0x58: {  	_ =	shalt  }
0x59: {  	_ =	shalt  }
0x5a: {  	_ =	shalt  }
0x5b: {  	_ =	shalt  }
0x5c: {  	_ =	shalt  }
0x5d: {  	_ =	shalt  }
0x5e: {  	_ =	shalt  }
0x5f: {  	_ =	shalt  }
0x60: {  	_ =	shalt  }
0x61: {  	_ =	shalt  }
0x62: {  	_ =	shalt  }
0x63: {  	_ =	shalt  }
0x64: {  	_ =	shalt  }
0x65: {  	_ =	shalt  }
0x66: {  	_ =	shalt  }
0x67: {  	_ =	shalt  }
0x68: {  	_ =	shalt  }
0x69: {  	_ =	shalt  }
0x6a: {  	_ =	shalt  }
0x6b: {  	_ =	shalt  }
0x6c: {  	_ =	shalt  }
0x6d: {  	_ =	shalt  }
0x6e: {  	_ =	shalt  }
0x6f: {  	_ =	shalt  }
0x70: {  	_ =	shalt  }
0x71: {  	_ =	shalt  }
0x72: {  	_ =	shalt  }
0x73: {  	_ =	shalt  }
0x74: {  	_ =	shalt  }
0x75: {  	_ =	shalt  }
0x76: {  	_ =	shalt  }
0x77: {  	_ =	shalt  }
0x78: {  	_ =	shalt  }
0x79: {  	_ =	shalt  }
0x7a: {  	_ =	shalt  }
0x7b: {  	_ =	shalt  }
0x7c: {  	_ =	shalt  }
0x7d: {  	_ =	shalt  }
0x7e: {  	_ =	shalt  }
0x7f: {  	_ =	shalt  }
0x80: {  	_ =	shalt  }
0x81: {  	_ =	shalt  }
0x82: {  	_ =	shalt  }
0x83: {  	_ =	shalt  }
0x84: {  	_ =	shalt  }
0x85: {  	_ =	shalt  }
0x86: {  	_ =	shalt  }
0x87: {  	_ =	shalt  }
.Lfunc_end0:
.L_simem_size_0:
called_computation_lowered:
.L_overlay_start_0:
0x88: {  	s2 =	sld [smem:$0x3FD9]  }
0x89: {  	s3 =	sld [smem:$0x3FFE];
	_ =	sdelay $0x1  }
0x8a: {  	s1 =	srdreg.scid  }
0x8b: {  	s0 =	sand.u32 $0x1, s1  }
0x8c: {  	s17 =	sshll.u32 s0, $0xA;
	s2 =	sadd.s32 s3, s2  }
0x8d: {  	s2 =	sadd.s32 s2, s17  }
0x8e: {  	[smem:$0x3FC4] =	sst s2  }
0x8f: {  	_ = 	snop  }
0x90: {  	s2 =	sld [smem:$0x3FC9]  }
0x91: {  	s18 =	sld [smem:$0x3FD0];
	(tm) =	ssettm $0x1  }
0x92: {  	s4 =	sld [smem:$0x3FFB];
	_ =	sdelay $0x3  }
0x93: {  	_ =	strace s4  }
0x94: {  	s4 =	sld [smem:$0x3FFC];
	_ =	sdelay $0x3  }
0x95: {  	_ =	strace s4  }
0x96: {  	s4 =	sld [smem:$0x3FFD];
	_ =	sdelay $0x3  }
0x97: {  	_ =	strace s4  }
0x98: {  	_ =	strace $0x8FFFFFFF  }
0x99: {  	s19 =	sld [smem:$0x3FDB];
	_ =	sdelay $0x1  }
0x9a: {  	s5 =	simm.s32 $_scs_section_size  }
0x9b: {  	s6 =	simm.s32 $_size__tile_overlayer_lowered;
	s7 =	simm.s32 $_tile_overlayer_lowered  }
0x9c: {  	s22 =	simm.s32 $0x1BFF;
	s21 =	sshll.u32 s7, $0x1;
	s4 =	sadd.s32 s5, s19  }
0x9d: {  	s8 =	simm.s32 $0x0;
	s20 =	sshll.u32 s6, $0x1;
	s6 =	sadd.s32 s21, s4  }
0x9e: {  	[timem:s8], [sflag:s22] =	dma.local [hbm:s6], s20  }
0x9f: {  	_ =	swait.ge [sflag:s22], s20  }
0xa0: {  	s5 =	ssub.s32 $0x0, s20;
	[sflag:s22] =	ssyncset.done $0x0  }
0xa1: {  	[sflag:s22] =	ssyncadd.s32 s5;
	_ =	sdelay $0x1  }
0xa2: {  	s23 =	simm.s32 $0x1B8B  }
0xa3: {  	_ =	swait.ge [sflag:s23], $0x1  }
0xa4: {  	[sflag:s23] =	ssyncset.done $0x0  }
0xa5: {  	s25 =	simm.s32 $0x1B8E;
	s24 =	sld [smem:$0x3FFE];
	[sflag:s23] =	ssyncadd.s32 $0xFFFFFFFF  }
0xa6: {  	s26 =	simm.s32 $execute0_lowered;
	[smem:$0x3FD2] =	sst s25  }
0xa7: {  	s6 =	sshll.u32 s26, $0x1;
	_ =	strace $0x80000046;
	[dreg:$0x1] =	wrdreg $0xFFFFFFFF  }
0xa8: {  	s28 =	simm.s32 $_size_execute0_lowered;
	s4 =	sadd.s32 s4, s6;
	[dreg:$0x0] =	wrdreg $0x0  }
0xa9: {  	s6 =	sshll.u32 s28, $0x1;
	[dreg:$0x2] =	wrdreg s4  }
0xaa: {  	[dreg:$0x3] =	wrdreg s6  }
0xab: {  	[dreg:$0x4] =	wrdreg $0xC0  }
0xac: {  	_ =	task [dreg:s8], $0x5FFFF  }
0xad: {  	[dreg:$0x1] =	wrdreg $0xFFFFFFFF  }
0xae: {  	[dreg:$0x0] =	wrdreg $0x60  }
0xaf: {  	[dreg:$0x2] =	wrdreg s2  }
0xb0: {  	[dreg:$0x3] =	wrdreg s24  }
0xb1: {  	[dreg:$0x4] =	wrdreg s18  }
0xb2: {  	[dreg:$0x5] =	wrdreg $0x9  }
0xb3: {  	_ =	task.clear_ibuf [dreg:s8], $0x6FFFF;
	_ =	strace $0x90000046  }
0xb4: {  	s29 =	simm.s32 $0x9;
	_ =	strace $0x80000048  }
0xb5: {  	_ =	swait.ge [sflag:s29], $0x1  }
0xb6: {  	[sflag:s29] =	ssyncadd.s32 $0xFFFFFFFF  }
0xb7: {  	_ =	strace $0x90000048  }
0xb8: {  	_ =	sfence  }
0xb9: {  	s30 =	sld [smem:$0x0];
	_ =	sdelay $0x2  }
0xba: {  	s31 =	sshll.u32 s1, $0xD;
	s1 =	sshrl.u32 s1, $0x2  }
0xbb: {  	s3 =	sand.u32 $0x4000, s31;
	s1 =	sadd.s32 s1, s30  }
0xbc: {  	s0 =	sor.u32 s3, s0;
	s1 =	sshll.u32 s1, $0x11  }
0xbd: {  	s0 =	sor.u32 s1, s0  }
0xbe: {  	s0 =	sadd.s32 $0x8F2B, s0  }
0xbf: {  	[sflag:s0] =	ssyncadd.remote.s32 $0x1  }
0xc0: {  	_ =	sfence.sel $0xFFFF  }
0xc1: {  	[dreg:$0x0] =	wrdreg $0xFFFFFFFF;
	(pc) =	sbr.abs _section_cstart, $3  }
0xc2: {  	[dreg:$0x1] =	wrdreg $0xFFFFFFFF  }
0xc3: {  	_ =	task.clear_ibuf [dreg:s8], $0x2FFFF;
	_ =	strace $0x9FFFFFFF  }
0xc4: {  	(tm) =	ssettm $0x7FFFFFFF  }
0xc5: {  	_ =	shalt  }
tec
execute0_lowered:
.L_overlay_start_1:
0x0: {  	(tag) =	ssettag $0x1  }
0x1: {  	s6 =	rddreg [dreg:$0x0]  }
0x2: {  	s5 =	rddreg [dreg:$0x1]  }
0x3: {  	s7 =	rddreg [dreg:$0x2]  }
0x4: {  	s0 =	rddreg [dreg:$0x3];
	s1 =	simm.s32 $0x0  }
0x5: {  	s4 =	srdreg.scid;
	s2 =	stileid.u32;
	s12 =	simm.s32 $0x10  }
0x6: {  	s13 =	simm.s32 $0x10210;
	s14 =	simm.s32 $0x2;
	s15 =	simm.s32 $0x1  }
0x7: {  	s16 =	simm.s32 $0x0;
	[smem:$0x7FF] =	sst s1;
	s3 =	sadd.s32 $0x600, s5  }
0x8: {  	s8 =	sand.u32 $0x1, s4;
	s4 =	sadd.s32 $0xF42E00, s5;
	s9 =	sshll.u32 s2, $0xA  }
0x9: {  	s5 =	sadd.s32 $0xF42A00, s5;
	s10 =	sshll.u32 s8, $0x9;
	s8 =	ssub.s32 $0x2, s8  }
0xa: {  	_ =	strace $0x80000047;
	s9 =	sor.u32 s10, s9;
	s31 =	sshrl.u32 s8, $0x1  }
0xb: {  	s10 =	simm.s32 $0x200;
	s11 =	sshrl.u32 s9, $0x3;
	s9 =	sshll.u32 s9, $0x4  }
0xc: {  	s8 =	ssub.s32 s8, s31;
	s6 =	sadd.s32 s6, s11;
	s7 =	sadd.s32 s7, s9  }
0xd: {  	s8 =	smax.u32 s8, $0x1;
	s9 =	simm.s32 $0x3;
	s11 =	simm.s32 $0x10200  }
.LBB2_1:
0xe: {  	[tilespmem:s1], [sflag:$0x3] =	stream.linear.gather [hbm4b:s6+s1], $0x200, $0x38;
	[tilespmem:$0x10610] =	vst v63  }
0xf: {  	_ =	swait.ge [sflag:s9], $0x200  }
0x10: {  	[sflag:s9] =	ssyncset.done $0x0  }
0x11: {  	[sflag:s9] =	ssyncadd.s32 $0xFFFFFE00  }
0x12: {  	[tilespmem:s10], [sflag:$0x1] =	stream.indirect.gather [hbm4b:s4+s10], $0x80, s1, s10, $0xb8;
	[tilespmem:$0x10610] =	vst v63  }
0x13: {  	_ = 	snop  }
0x14: {  	[tilespmem:s11], [sflag:$0x3] =	stream.linear.gather [hbm4b:s3+s1], $0x10, $0x38;
	[tilespmem:$0x10610] =	vst v63  }
0x15: {  	_ =	swait.ge [sflag:s9], $0x10  }
0x16: {  	[sflag:s9] =	ssyncset.done $0x0  }
0x17: {  	[sflag:s9] =	ssyncadd.s32 $0xFFFFFFF0  }
0x18: {  	[tilespmem:s13], [sflag:$0x2] =	stream.indirect.gather [hbm4b:s5+s12], $0x40, s11, s12, $0xb8;
	[tilespmem:$0x10610] =	vst v63  }
0x19: {  	_ =	swait.ge [sflag:s14], $0x400  }
0x1a: {  	[sflag:s14] =	ssyncset.done $0x0  }
0x1b: {  	[sflag:s14] =	ssyncadd.s32 $0xFFFFFC00  }
0x1c: {  	v0 =	vld [tilespmem:$0x10210]  }
0x1d: {  	v3 =	vld [tilespmem:$0x10240]  }
0x1e: {  	v2 =	vld [tilespmem:$0x10230]  }
0x1f: {  	v1 =	vld [tilespmem:$0x10220];
	_ =	swait.ge [sflag:s15], $0x10000  }
0x20: {  	[sflag:s15] =	ssyncset.done $0x0  }
0x21: {  	s18 =	simm.s32 $0xFFFC0200;
	s17 =	simm.s32 $0xFFFF0000;
	[sflag:s15] =	ssyncadd.s32 $0xFFFF0000  }
.LBB2_2:
0x22: {  	p0 =	sne.s32 s18, $0xFFFFFE00;
	[tilespmem:s17+$0x10270] =	vst v3;
	s19 =	smov.u32 s18;
	s18 =	sadd.s32 $0x200, s18  }
.Ltmp0:
0x23: {  	[tilespmem:s17+$0x10260] =	vst v2;
	(pc) =	sbr.rel @p0 .LBB2_2-.Ltmp0, $3  }
0x24: {  	[tilespmem:s17+$0x10240] =	vst v0  }
0x25: {  	[tilespmem:s17+$0x10250] =	vst v1;
	_ =	sdelay $0x1  }
0x26: {  	s17 =	sshra.s32 s19, $0x2  }
0x27: {  	[tilespmem:s17+$0x10270] =	vst v3  }
0x28: {  	[tilespmem:s17+$0x10260] =	vst v2;
	s16 =	sadd.s32 $0x1, s16  }
0x29: {  	[tilespmem:s17+$0x10240] =	vst v0;
	p0 =	sne.s32 s16, s8  }
.Ltmp1:
0x2a: {  	[tilespmem:s17+$0x10250] =	vst v1;
	(pc) =	sbr.rel @p0 .LBB2_1-.Ltmp1, $4  }
0x2b: {  	[hbm4b:s7+s1] =	stream.linear.scatter [tilespmem:s10], [sflag:$0x3], $0x10000, $0x38;
	[tilespmem:$0x10610] =	vst v63  }
0x2c: {  	_ =	swait.ge [sflag:s9], $0x10000  }
0x2d: {  	[sflag:s9] =	ssyncset.done $0x0  }
0x2e: {  	[sflag:s9] =	ssyncadd.s32 $0xFFFF0000  }
0x2f: {  	_ =	sfence.sel $0x180000  }
0x30: {  	[bflag:$0x0] =	sbarrier.arrive $0xFFFF  }
0x31: {  	p0 =	sne.s32 s2, $0x0;
	_ =	strace $0x90000047  }
0x32: {  	s0 =	sadd.s32 @!p0 $0x100000, s0;
	[bflag:$0x2] =	sbarrier.arrive $0xFFFF  }
0x33: {  	[sflag:s0] =	ssyncadd.tile.s32 @!p0 $0x1;
	_ =	shalt  }
.Lfunc_end2:
_tile_overlayer_lowered:
.L_overlay_start_2:
0x34: {  	(tag) =	ssettag $0x2  }
0x35: {  	s0 =	rddreg [dreg:$0x0];
	s2 =	stileid.u32  }
0x36: {  	s1 =	rddreg [dreg:$0x1];
	p0 =	sne.s32 s2, $0x0  }
0x37: {  	s3 =	rddreg [dreg:$0x2];
	[bflag:$0x3] =	sbarrier.arrive $0xFFFF;
	s2 =	simm.s32 @!p0 $0x1C03  }
0x38: {  	[timem:s3], [sflag:s2] =	dma.local @!p0 [hbm:s0], s1  }
0x39: {  	s0 =	simm.s32 @!p0 $0x3  }
0x3a: {  	_ =	swait.ge @!p0 [sflag:s0], s1  }
0x3b: {  	s1 =	ssub.s32 @!p0 $0x0, s1;
	[sflag:s0] =	ssyncset.done @!p0 $0x0  }
0x3c: {  	[sflag:s0] =	ssyncadd.s32 @!p0 s1  }
0x3d: {  	[bflag:$0x3] =	sbarrier.arrive $0xFFFF  }
0x3e: {  	_ =	shalt  }

</sc_bundles>
